<compile_context>
chip_gen: v7x
topology: tpu7x:2x2x1
jax: 0.10.2.dev20260603
libtpu: 0.0.44.dev20260713+nightly
codegen_flags: <defaults>
</compile_context>

<pallas_src>
import functools

import jax
import jax.numpy as jnp
from jax import lax
from jax.experimental import pallas as pl
from jax.experimental.pallas import tpu as pltpu
from jax.experimental.pallas import tpu_sc as plsc

N = 320000
D = 128
S = 10000
H1 = 32

CHUNK = 128
NCH_TOTAL = N // CHUNK
NUM_SC = 2
NTILES = 16
NCH_SC = NCH_TOTAL // NUM_SC
BASE = NCH_SC // NTILES
EXTRA = NCH_SC - BASE * NTILES
SEG_PER_TILE = 624
ZROWS = 16


def _sc_segment_sum(h, batch_i32):
    mesh = plsc.VectorSubcoreMesh(core_axis_name="c", subcore_axis_name="s")

    @functools.partial(
        pl.kernel,
        out_type=jax.ShapeDtypeStruct((NUM_SC * S, D), jnp.float32),
        mesh=mesh,
        scratch_types=[
            pltpu.VMEM((CHUNK, D), jnp.float32),
            pltpu.VMEM((CHUNK, D), jnp.float32),
            pltpu.VMEM((CHUNK,), jnp.int32),
            pltpu.VMEM((CHUNK,), jnp.int32),
            pltpu.VMEM((ZROWS, D), jnp.float32),
            pltpu.VMEM_SHARED((S, D), jnp.float32),
            pltpu.SemaphoreType.DMA,
            pltpu.SemaphoreType.DMA,
            pltpu.SemaphoreType.DMA,
            pltpu.SemaphoreType.DMA,
        ],
    )
    def seg_sum(h_hbm, b_hbm, out_hbm, hA, hB, iA, iB, zb, acc,
                sAh, sBh, sAi, sBi):
        c = lax.axis_index("c")
        s = lax.axis_index("s")
        nch = BASE + jnp.where(s < EXTRA, 1, 0)
        chunk0 = c * NCH_SC + s * BASE + jnp.minimum(s, EXTRA)

        z16 = jnp.zeros((16,), jnp.float32)

        @pl.loop(0, ZROWS)
        def _(r):
            @pl.loop(0, D // 16)
            def _(g):
                zb[r, pl.ds(g * 16, 16)] = z16

        @pl.loop(0, SEG_PER_TILE // ZROWS)
        def _(k):
            pltpu.sync_copy(
                zb, acc.at[pl.ds(s * SEG_PER_TILE + k * ZROWS, ZROWS)])

        @pl.when(s == NTILES - 1)
        def _():
            pltpu.sync_copy(zb, acc.at[pl.ds(NTILES * SEG_PER_TILE, ZROWS)])

        plsc.subcore_barrier()

        def start(hbuf, ibuf, sh, si, ci):
            row = ci * CHUNK
            pltpu.async_copy(h_hbm.at[pl.ds(row, CHUNK)], hbuf, sh)
            pltpu.async_copy(b_hbm.at[pl.ds(row, CHUNK)], ibuf, si)

        def finish_and_scatter(hbuf, ibuf, sh, si):
            pltpu.make_async_copy(h_hbm.at[pl.ds(0, CHUNK)], hbuf, sh).wait()
            pltpu.make_async_copy(b_hbm.at[pl.ds(0, CHUNK)], ibuf, si).wait()
            pltpu.sync_copy(hbuf, acc.at[ibuf], add=True)

        start(hA, iA, sAh, sAi, chunk0)
        start(hB, iB, sBh, sBi, chunk0 + 1)

        @pl.loop(0, BASE // 2)
        def _(p):
            finish_and_scatter(hA, iA, sAh, sAi)

            @pl.when(2 * p + 2 < nch)
            def _():
                start(hA, iA, sAh, sAi, chunk0 + 2 * p + 2)

            finish_and_scatter(hB, iB, sBh, sBi)

            @pl.when(2 * p + 3 < nch)
            def _():
                start(hB, iB, sBh, sBi, chunk0 + 2 * p + 3)

        @pl.when(nch > BASE)
        def _():
            finish_and_scatter(hA, iA, sAh, sAi)

        plsc.subcore_barrier()

        pltpu.sync_copy(
            acc.at[pl.ds(s * SEG_PER_TILE, SEG_PER_TILE)],
            out_hbm.at[pl.ds(c * S + s * SEG_PER_TILE, SEG_PER_TILE)])

        @pl.when(s == NTILES - 1)
        def _():
            pltpu.sync_copy(
                acc.at[pl.ds(NTILES * SEG_PER_TILE, ZROWS)],
                out_hbm.at[pl.ds(c * S + NTILES * SEG_PER_TILE, ZROWS)])

    return seg_sum(h, batch_i32)


def _ssp(x):
    return jnp.maximum(x, 0.0) + jnp.log1p(jnp.exp(-jnp.abs(x))) \
        - jnp.log(2.0).astype(jnp.float32)


def _tc_tail(partials, W1, b1r, W2, b2r):
    BLK = 1000
    grid = S // BLK

    def body(p0_ref, p1_ref, w1_ref, b1_ref, w2_ref, b2_ref, o_ref):
        pooled = p0_ref[...] + p1_ref[...]
        t = lax.dot_general(pooled, w1_ref[...], (((1,), (0,)), ((), ())),
                            precision=lax.Precision.HIGHEST,
                            preferred_element_type=jnp.float32)
        t = _ssp(t + b1_ref[...])
        u = lax.dot_general(t, w2_ref[...], (((1,), (0,)), ((), ())),
                            precision=lax.Precision.HIGHEST,
                            preferred_element_type=jnp.float32)
        o_ref[...] = _ssp(u + b2_ref[...])

    return pl.pallas_call(
        body,
        grid=(grid,),
        in_specs=[
            pl.BlockSpec((BLK, D), lambda i: (i, 0)),
            pl.BlockSpec((BLK, D), lambda i: (i + grid, 0)),
            pl.BlockSpec((D, H1), lambda i: (0, 0)),
            pl.BlockSpec((1, H1), lambda i: (0, 0)),
            pl.BlockSpec((H1, 1), lambda i: (0, 0)),
            pl.BlockSpec((1, 1), lambda i: (0, 0)),
        ],
        out_specs=pl.BlockSpec((BLK, 1), lambda i: (i, 0)),
        out_shape=jax.ShapeDtypeStruct((S, 1), jnp.float32),
    )(partials, partials, W1, b1r, W2, b2r)


def kernel(h, batch, W1, b1, W2, b2):
    partials = _sc_segment_sum(h, batch.astype(jnp.int32))
    return _tc_tail(partials, W1, b1.reshape(1, H1), W2, b2.reshape(1, 1))

# --- scband reference (transcript-rebuilt; emitter-appended) ---
"""Pipeline reference for scband-general-read-out-layer-40192303956470 (READ-ONLY COPY).

The authoritative reference and input builder live on the scoring server;
editing this copy changes nothing except your own understanding.
"""

import jax, jax.numpy as jnp
import numpy as np

N = 320000
D = 128
NUM_SEGMENTS = 10000


def setup_inputs(seed: int = 0) -> dict:
    key = jax.random.key(seed)
    k1, k2, k3, k4 = jax.random.split(key, 4)
    h = jax.random.normal(k1, (N, D), dtype=jnp.float32)
    batch = jnp.sort(jax.random.randint(k2, (N,), 0, NUM_SEGMENTS)).astype(jnp.int64)
    # Learned params for modules_list_2: Linear(128,32) + ShiftedSoftplus, Linear(32,1) + ShiftedSoftplus
    W1 = jax.random.normal(k3, (D, 32), dtype=jnp.float32) * (1.0 / np.sqrt(D))
    b1 = jnp.zeros((32,), dtype=jnp.float32)
    W2 = jax.random.normal(k4, (32, 1), dtype=jnp.float32) * (1.0 / np.sqrt(32))
    b2 = jnp.zeros((1,), dtype=jnp.float32)
    return {"h": h, "batch": batch, "W1": W1, "b1": b1, "W2": W2, "b2": b2}


def _shifted_softplus(x):
    return jax.nn.softplus(x) - jnp.log(2.0)


def reference(h, batch, W1, b1, W2, b2):
    # modules_list_1 is empty for layers_size=(128,'sum',32,1) (readout_site=1)
    # segment_csr(h, get_ptr(batch), reduce='sum') == segment_sum over sorted batch ids
    pooled = jax.ops.segment_sum(h, batch, num_segments=NUM_SEGMENTS)
    # modules_list_2: Linear(128,32) -> ShiftedSoftplus -> Linear(32,1) -> ShiftedSoftplus
    out = _shifted_softplus(pooled @ W1 + b1)
    out = _shifted_softplus(out @ W2 + b2)
    return out

if __name__ == "__main__":
    import jax
    _d = setup_inputs()
    print(jax.jit(kernel)(*tuple(_d.values())))

</pallas_src>

<mosaic_0001>
#map = affine_map<(d0, d1) -> (0, 0)>
#map1 = affine_map<(d0, d1) -> (0)>
module attributes {stable_mosaic.version = 14 : i64} {
  func.func @seg_sum(%arg0: i32, %arg1: i32, %arg2: memref<320000x128xf32, #tpu.memory_space<hbm>>, %arg3: memref<320000xi32, #tpu.memory_space<hbm>>, %arg4: memref<20000x128xf32, #tpu.memory_space<hbm>>, %arg5: memref<128x128xf32, #tpu.memory_space<vmem>>, %arg6: memref<128x128xf32, #tpu.memory_space<vmem>>, %arg7: memref<128xi32, #tpu.memory_space<vmem>>, %arg8: memref<128xi32, #tpu.memory_space<vmem>>, %arg9: memref<16x128xf32, #tpu.memory_space<vmem>>, %arg10: memref<10000x128xf32, #tpu.memory_space<vmem_shared>>, %arg11: memref<!tpu.dma_semaphore, #tpu.memory_space<semaphore_mem>>, %arg12: memref<!tpu.dma_semaphore, #tpu.memory_space<semaphore_mem>>, %arg13: memref<!tpu.dma_semaphore, #tpu.memory_space<semaphore_mem>>, %arg14: memref<!tpu.dma_semaphore, #tpu.memory_space<semaphore_mem>>) attributes {dimension_semantics = [#tpu.dimension_semantics<core_parallel>, #tpu.dimension_semantics<subcore_parallel>], iteration_bounds = array<i64: 2, 16>, scalar_prefetch = 0 : i64, scratch_operands = 10 : i64, tpu.core_type = #tpu.core_type<sc_vector_subcore>, window_params = [{transform_indices = #map}, {transform_indices = #map1}, {transform_indices = #map}]} {
    %lt3A = arith.constant 2 : i32
    %lt3A_0 = arith.cmpi slt, %arg1, %lt3A : i32
    %jit3A = arith.constant 1 : i32
    %jit3A_1 = arith.constant 0 : i32
    %select_n3A = arith.select %lt3A_0, %jit3A, %jit3A_1 : i32
    %add3A = arith.constant 78 : i32
    %add3A_2 = arith.addi %add3A, %select_n3A : i32
    %mul3A = arith.constant 1250 : i32
    %mul3A_3 = arith.muli %arg0, %mul3A : i32
    %mul3A_4 = arith.constant 78 : i32
    %mul3A_5 = arith.muli %arg1, %mul3A_4 : i32
    %add3A_6 = arith.addi %mul3A_3, %mul3A_5 : i32
    %min3A = arith.constant 2 : i32
    %min3A_7 = arith.minsi %arg1, %min3A : i32
    %add3A_8 = arith.addi %add3A_6, %min3A_7 : i32
    %broadcast_in_dim3A = arith.constant 0.000000e+00 : f32
    %broadcast_in_dim3A_9 = vector.broadcast %broadcast_in_dim3A : f32 to vector<16xf32>
    %scan3A = arith.constant 0 : i32
    %scan3A_10 = arith.constant 16 : i32
    %scan3A_11 = arith.addi %scan3A, %scan3A_10 : i32
    %scan3A_12 = arith.constant 1 : i32
    scf.for %scan3A_60 = %scan3A to %scan3A_11 step %scan3A_12  : i32 {
      %mul3A_61 = arith.constant 1 : i32
      %mul3A_62 = arith.muli %scan3A_60, %mul3A_61 : i32
      %add3A_63 = arith.constant 0 : i32
      %add3A_64 = arith.addi %add3A_63, %mul3A_62 : i32
      %scan3A_65 = arith.constant 0 : i32
      %scan3A_66 = arith.constant 8 : i32
      %scan3A_67 = arith.addi %scan3A_65, %scan3A_66 : i32
      %scan3A_68 = arith.constant 1 : i32
      scf.for %scan3A_70 = %scan3A_65 to %scan3A_67 step %scan3A_68  : i32 {
        %mul3A_71 = arith.constant 1 : i32
        %mul3A_72 = arith.muli %scan3A_70, %mul3A_71 : i32
        %add3A_73 = arith.constant 0 : i32
        %add3A_74 = arith.addi %add3A_73, %mul3A_72 : i32
        %mul3A_75 = arith.constant 16 : i32
        %mul3A_76 = arith.muli %add3A_74, %mul3A_75 : i32
        %swap3A = arith.index_cast %add3A_64 : i32 to index
        %swap3A_77 = arith.index_cast %mul3A_76 : i32 to index
        %swap3A_78 = tpu.vector_load %arg9[%swap3A, %swap3A_77] {strides = array<i32>} : memref<16x128xf32, #tpu.memory_space<vmem>>, vector<1x16xf32>,
        %swap3A_79 = vector.shape_cast %swap3A_78 : vector<1x16xf32> to vector<16xf32>
        %swap3A_80 = vector.shape_cast %broadcast_in_dim3A_9 : vector<16xf32> to vector<1x16xf32>
        tpu.vector_store %arg9[%swap3A, %swap3A_77], %swap3A_80 {strides = array<i32>} : memref<16x128xf32, #tpu.memory_space<vmem>>, vector<1x16xf32>,
      }
      %scan3A_69 = arith.constant 8 : i32
    }
    %scan3A_13 = arith.constant 16 : i32
    %scan3A_14 = arith.constant 0 : i32
    %scan3A_15 = arith.constant 39 : i32
    %scan3A_16 = arith.addi %scan3A_14, %scan3A_15 : i32
    %scan3A_17 = arith.constant 1 : i32
    scf.for %scan3A_60 = %scan3A_14 to %scan3A_16 step %scan3A_17  : i32 {
      %mul3A_61 = arith.constant 1 : i32
      %mul3A_62 = arith.muli %scan3A_60, %mul3A_61 : i32
      %add3A_63 = arith.constant 0 : i32
      %add3A_64 = arith.addi %add3A_63, %mul3A_62 : i32
      %mul3A_65 = arith.constant 624 : i32
      %mul3A_66 = arith.muli %arg1, %mul3A_65 : i32
      %mul3A_67 = arith.constant 16 : i32
      %mul3A_68 = arith.muli %add3A_64, %mul3A_67 : i32
      %add3A_69 = arith.addi %mul3A_66, %mul3A_68 : i32
      "tpu.region"() ({
        %run_scoped3A = tpu.sem_alloc : memref<!tpu.dma_semaphore, #tpu.memory_space<semaphore_mem>>
        %dma_start3A_70 = arith.constant 0 : i32
        %dma_start3A_71 = tpu.memref_slice %arg10[%add3A_69, %dma_start3A_70] : memref<10000x128xf32, #tpu.memory_space<vmem_shared>> -> memref<16x128xf32, #tpu.memory_space<vmem_shared>>
        %dma_start3A_72 = arith.constant 0 : i32
        %dma_start3A_73 = tpu.memref_slice %arg10[%add3A_69, %dma_start3A_72] : memref<10000x128xf32, #tpu.memory_space<vmem_shared>> -> memref<16x128xf32, #tpu.memory_space<vmem_shared>>
        tpu.enqueue_dma source(%arg9 : memref<16x128xf32, #tpu.memory_space<vmem>>) target(%dma_start3A_73 : memref<16x128xf32, #tpu.memory_space<vmem_shared>>) target_semaphore(%run_scoped3A : memref<!tpu.dma_semaphore, #tpu.memory_space<semaphore_mem>>)
        %dma_wait3A = arith.constant 0 : i32
        %dma_wait3A_74 = tpu.memref_slice %arg10[%add3A_69, %dma_wait3A] : memref<10000x128xf32, #tpu.memory_space<vmem_shared>> -> memref<16x128xf32, #tpu.memory_space<vmem_shared>>
        %dma_wait3A_75 = arith.constant 0 : i32
        %dma_wait3A_76 = tpu.memref_slice %arg10[%add3A_69, %dma_wait3A_75] : memref<10000x128xf32, #tpu.memory_space<vmem_shared>> -> memref<16x128xf32, #tpu.memory_space<vmem_shared>>
        tpu.wait_dma2 semaphore(%run_scoped3A : memref<!tpu.dma_semaphore, #tpu.memory_space<semaphore_mem>>) src(%arg9 : memref<16x128xf32, #tpu.memory_space<vmem>>) dst(%dma_wait3A_76 : memref<16x128xf32, #tpu.memory_space<vmem_shared>>)
        tpu.yield
      }) : () -> ()
    }
    %scan3A_18 = arith.constant 39 : i32
    %eq3A = arith.constant 15 : i32
    %eq3A_19 = arith.cmpi eq, %arg1, %eq3A : i32
    %convert_element_type3A = arith.extui %eq3A_19 : i1 to i32
    %cond3A = arith.constant 0 : i32
    %cond3A_20 = arith.cmpi ne, %convert_element_type3A, %cond3A : i32
    scf.if %cond3A_20 {
      "tpu.region"() ({
        %run_scoped3A = tpu.sem_alloc : memref<!tpu.dma_semaphore, #tpu.memory_space<semaphore_mem>>
        %dma_start3A_60 = arith.constant 9984 : i32
        %dma_start3A_61 = arith.constant 0 : i32
        %dma_start3A_62 = tpu.memref_slice %arg10[%dma_start3A_60, %dma_start3A_61] : memref<10000x128xf32, #tpu.memory_space<vmem_shared>> -> memref<16x128xf32, #tpu.memory_space<vmem_shared>>
        %dma_start3A_63 = arith.constant 9984 : i32
        %dma_start3A_64 = arith.constant 0 : i32
        %dma_start3A_65 = tpu.memref_slice %arg10[%dma_start3A_63, %dma_start3A_64] : memref<10000x128xf32, #tpu.memory_space<vmem_shared>> -> memref<16x128xf32, #tpu.memory_space<vmem_shared>>
        tpu.enqueue_dma source(%arg9 : memref<16x128xf32, #tpu.memory_space<vmem>>) target(%dma_start3A_65 : memref<16x128xf32, #tpu.memory_space<vmem_shared>>) target_semaphore(%run_scoped3A : memref<!tpu.dma_semaphore, #tpu.memory_space<semaphore_mem>>)
        %dma_wait3A = arith.constant 9984 : i32
        %dma_wait3A_66 = arith.constant 0 : i32
        %dma_wait3A_67 = tpu.memref_slice %arg10[%dma_wait3A, %dma_wait3A_66] : memref<10000x128xf32, #tpu.memory_space<vmem_shared>> -> memref<16x128xf32, #tpu.memory_space<vmem_shared>>
        %dma_wait3A_68 = arith.constant 9984 : i32
        %dma_wait3A_69 = arith.constant 0 : i32
        %dma_wait3A_70 = tpu.memref_slice %arg10[%dma_wait3A_68, %dma_wait3A_69] : memref<10000x128xf32, #tpu.memory_space<vmem_shared>> -> memref<16x128xf32, #tpu.memory_space<vmem_shared>>
        tpu.wait_dma2 semaphore(%run_scoped3A : memref<!tpu.dma_semaphore, #tpu.memory_space<semaphore_mem>>) src(%arg9 : memref<16x128xf32, #tpu.memory_space<vmem>>) dst(%dma_wait3A_70 : memref<16x128xf32, #tpu.memory_space<vmem_shared>>)
        tpu.yield
      }) : () -> ()
    } else {
    }
    %barrier3A = arith.constant 0 : index
    tpu.barrier barrier_id(%barrier3A)
    %mul3A_21 = arith.constant 128 : i32
    %mul3A_22 = arith.muli %add3A_8, %mul3A_21 : i32
    %dma_start3A = arith.constant 0 : i32
    %dma_start3A_23 = tpu.memref_slice %arg2[%mul3A_22, %dma_start3A] : memref<320000x128xf32, #tpu.memory_space<hbm>> -> memref<128x128xf32, #tpu.memory_space<hbm>>
    %dma_start3A_24 = arith.constant 0 : i32
    %dma_start3A_25 = tpu.memref_slice %arg2[%mul3A_22, %dma_start3A_24] : memref<320000x128xf32, #tpu.memory_space<hbm>> -> memref<128x128xf32, #tpu.memory_space<hbm>>
    tpu.enqueue_dma source(%dma_start3A_25 : memref<128x128xf32, #tpu.memory_space<hbm>>) target(%arg5 : memref<128x128xf32, #tpu.memory_space<vmem>>) target_semaphore(%arg11 : memref<!tpu.dma_semaphore, #tpu.memory_space<semaphore_mem>>)
    %dma_start3A_26 = tpu.memref_slice %arg3[%mul3A_22] : memref<320000xi32, #tpu.memory_space<hbm>> -> memref<128xi32, #tpu.memory_space<hbm>>
    %dma_start3A_27 = tpu.memref_slice %arg3[%mul3A_22] : memref<320000xi32, #tpu.memory_space<hbm>> -> memref<128xi32, #tpu.memory_space<hbm>>
    tpu.enqueue_dma source(%dma_start3A_27 : memref<128xi32, #tpu.memory_space<hbm>>) target(%arg7 : memref<128xi32, #tpu.memory_space<vmem>>) target_semaphore(%arg13 : memref<!tpu.dma_semaphore, #tpu.memory_space<semaphore_mem>>)
    %add3A_28 = arith.constant 1 : i32
    %add3A_29 = arith.addi %add3A_8, %add3A_28 : i32
    %mul3A_30 = arith.constant 128 : i32
    %mul3A_31 = arith.muli %add3A_29, %mul3A_30 : i32
    %dma_start3A_32 = arith.constant 0 : i32
    %dma_start3A_33 = tpu.memref_slice %arg2[%mul3A_31, %dma_start3A_32] : memref<320000x128xf32, #tpu.memory_space<hbm>> -> memref<128x128xf32, #tpu.memory_space<hbm>>
    %dma_start3A_34 = arith.constant 0 : i32
    %dma_start3A_35 = tpu.memref_slice %arg2[%mul3A_31, %dma_start3A_34] : memref<320000x128xf32, #tpu.memory_space<hbm>> -> memref<128x128xf32, #tpu.memory_space<hbm>>
    tpu.enqueue_dma source(%dma_start3A_35 : memref<128x128xf32, #tpu.memory_space<hbm>>) target(%arg6 : memref<128x128xf32, #tpu.memory_space<vmem>>) target_semaphore(%arg12 : memref<!tpu.dma_semaphore, #tpu.memory_space<semaphore_mem>>)
    %dma_start3A_36 = tpu.memref_slice %arg3[%mul3A_31] : memref<320000xi32, #tpu.memory_space<hbm>> -> memref<128xi32, #tpu.memory_space<hbm>>
    %dma_start3A_37 = tpu.memref_slice %arg3[%mul3A_31] : memref<320000xi32, #tpu.memory_space<hbm>> -> memref<128xi32, #tpu.memory_space<hbm>>
    tpu.enqueue_dma source(%dma_start3A_37 : memref<128xi32, #tpu.memory_space<hbm>>) target(%arg8 : memref<128xi32, #tpu.memory_space<vmem>>) target_semaphore(%arg14 : memref<!tpu.dma_semaphore, #tpu.memory_space<semaphore_mem>>)
    %scan3A_38 = arith.constant 0 : i32
    %scan3A_39 = arith.constant 39 : i32
    %scan3A_40 = arith.addi %scan3A_38, %scan3A_39 : i32
    %scan3A_41 = arith.constant 1 : i32
    scf.for %scan3A_60 = %scan3A_38 to %scan3A_40 step %scan3A_41  : i32 {
      %mul3A_61 = arith.constant 1 : i32
      %mul3A_62 = arith.muli %scan3A_60, %mul3A_61 : i32
      %add3A_63 = arith.constant 0 : i32
      %add3A_64 = arith.addi %add3A_63, %mul3A_62 : i32
      %dma_wait3A = arith.constant 0 : i32
      %dma_wait3A_65 = arith.constant 0 : i32
      %dma_wait3A_66 = tpu.memref_slice %arg2[%dma_wait3A, %dma_wait3A_65] : memref<320000x128xf32, #tpu.memory_space<hbm>> -> memref<128x128xf32, #tpu.memory_space<hbm>>
      %dma_wait3A_67 = arith.constant 0 : i32
      %dma_wait3A_68 = arith.constant 0 : i32
      %dma_wait3A_69 = tpu.memref_slice %arg2[%dma_wait3A_67, %dma_wait3A_68] : memref<320000x128xf32, #tpu.memory_space<hbm>> -> memref<128x128xf32, #tpu.memory_space<hbm>>
      tpu.wait_dma2 semaphore(%arg11 : memref<!tpu.dma_semaphore, #tpu.memory_space<semaphore_mem>>) src(%dma_wait3A_69 : memref<128x128xf32, #tpu.memory_space<hbm>>) dst(%arg5 : memref<128x128xf32, #tpu.memory_space<vmem>>)
      %dma_wait3A_70 = arith.constant 0 : i32
      %dma_wait3A_71 = tpu.memref_slice %arg3[%dma_wait3A_70] : memref<320000xi32, #tpu.memory_space<hbm>> -> memref<128xi32, #tpu.memory_space<hbm>>
      %dma_wait3A_72 = arith.constant 0 : i32
      %dma_wait3A_73 = tpu.memref_slice %arg3[%dma_wait3A_72] : memref<320000xi32, #tpu.memory_space<hbm>> -> memref<128xi32, #tpu.memory_space<hbm>>
      tpu.wait_dma2 semaphore(%arg13 : memref<!tpu.dma_semaphore, #tpu.memory_space<semaphore_mem>>) src(%dma_wait3A_73 : memref<128xi32, #tpu.memory_space<hbm>>) dst(%arg7 : memref<128xi32, #tpu.memory_space<vmem>>)
      "tpu.region"() ({
        %run_scoped3A = tpu.sem_alloc : memref<!tpu.dma_semaphore, #tpu.memory_space<semaphore_mem>>
        %dma_start3A_100 = arith.constant 0 : i32
        %dma_start3A_101 = arith.constant 0 : i32
        %dma_start3A_102 = tpu.memref_slice %arg10[%dma_start3A_100, %dma_start3A_101] : memref<10000x128xf32, #tpu.memory_space<vmem_shared>> -> memref<10000x128xf32, #tpu.memory_space<vmem_shared>>
        tpu.enqueue_indirect_dma source(%arg5 : memref<128x128xf32, #tpu.memory_space<vmem>>) target(%dma_start3A_102 : memref<10000x128xf32, #tpu.memory_space<vmem_shared>>) offsets(%arg7 : memref<128xi32, #tpu.memory_space<vmem>>) semaphore(%run_scoped3A : memref<!tpu.dma_semaphore, #tpu.memory_space<semaphore_mem>>) {add = true}
        %dma_wait3A_103 = arith.constant 0 : i32
        %dma_wait3A_104 = arith.constant 0 : i32
        %dma_wait3A_105 = tpu.memref_slice %arg10[%dma_wait3A_103, %dma_wait3A_104] : memref<10000x128xf32, #tpu.memory_space<vmem_shared>> -> memref<10000x128xf32, #tpu.memory_space<vmem_shared>>
        tpu.wait_indirect_dma semaphore(%run_scoped3A : memref<!tpu.dma_semaphore, #tpu.memory_space<semaphore_mem>>) src(%arg5 : memref<128x128xf32, #tpu.memory_space<vmem>>) dst(%dma_wait3A_105 : memref<10000x128xf32, #tpu.memory_space<vmem_shared>>)
        tpu.yield
      }) : () -> ()
      %mul3A_74 = arith.constant 2 : i32
      %mul3A_75 = arith.muli %mul3A_74, %add3A_64 : i32
      %add3A_76 = arith.constant 2 : i32
      %add3A_77 = arith.addi %mul3A_75, %add3A_76 : i32
      %lt3A_78 = arith.cmpi slt, %add3A_77, %add3A_2 : i32
      %convert_element_type3A_79 = arith.extui %lt3A_78 : i1 to i32
      %cond3A_80 = arith.constant 0 : i32
      %cond3A_81 = arith.cmpi ne, %convert_element_type3A_79, %cond3A_80 : i32
      scf.if %cond3A_81 {
        %mul3A_100 = arith.constant 2 : i32
        %mul3A_101 = arith.muli %mul3A_100, %add3A_64 : i32
        %add3A_102 = arith.addi %add3A_8, %mul3A_101 : i32
        %add3A_103 = arith.constant 2 : i32
        %add3A_104 = arith.addi %add3A_102, %add3A_103 : i32
        %mul3A_105 = arith.constant 128 : i32
        %mul3A_106 = arith.muli %add3A_104, %mul3A_105 : i32
        %dma_start3A_107 = arith.constant 0 : i32
        %dma_start3A_108 = tpu.memref_slice %arg2[%mul3A_106, %dma_start3A_107] : memref<320000x128xf32, #tpu.memory_space<hbm>> -> memref<128x128xf32, #tpu.memory_space<hbm>>
        %dma_start3A_109 = arith.constant 0 : i32
        %dma_start3A_110 = tpu.memref_slice %arg2[%mul3A_106, %dma_start3A_109] : memref<320000x128xf32, #tpu.memory_space<hbm>> -> memref<128x128xf32, #tpu.memory_space<hbm>>
        tpu.enqueue_dma source(%dma_start3A_110 : memref<128x128xf32, #tpu.memory_space<hbm>>) target(%arg5 : memref<128x128xf32, #tpu.memory_space<vmem>>) target_semaphore(%arg11 : memref<!tpu.dma_semaphore, #tpu.memory_space<semaphore_mem>>)
        %dma_start3A_111 = tpu.memref_slice %arg3[%mul3A_106] : memref<320000xi32, #tpu.memory_space<hbm>> -> memref<128xi32, #tpu.memory_space<hbm>>
        %dma_start3A_112 = tpu.memref_slice %arg3[%mul3A_106] : memref<320000xi32, #tpu.memory_space<hbm>> -> memref<128xi32, #tpu.memory_space<hbm>>
        tpu.enqueue_dma source(%dma_start3A_112 : memref<128xi32, #tpu.memory_space<hbm>>) target(%arg7 : memref<128xi32, #tpu.memory_space<vmem>>) target_semaphore(%arg13 : memref<!tpu.dma_semaphore, #tpu.memory_space<semaphore_mem>>)
      } else {
      }
      %dma_wait3A_82 = arith.constant 0 : i32
      %dma_wait3A_83 = arith.constant 0 : i32
      %dma_wait3A_84 = tpu.memref_slice %arg2[%dma_wait3A_82, %dma_wait3A_83] : memref<320000x128xf32, #tpu.memory_space<hbm>> -> memref<128x128xf32, #tpu.memory_space<hbm>>
      %dma_wait3A_85 = arith.constant 0 : i32
      %dma_wait3A_86 = arith.constant 0 : i32
      %dma_wait3A_87 = tpu.memref_slice %arg2[%dma_wait3A_85, %dma_wait3A_86] : memref<320000x128xf32, #tpu.memory_space<hbm>> -> memref<128x128xf32, #tpu.memory_space<hbm>>
      tpu.wait_dma2 semaphore(%arg12 : memref<!tpu.dma_semaphore, #tpu.memory_space<semaphore_mem>>) src(%dma_wait3A_87 : memref<128x128xf32, #tpu.memory_space<hbm>>) dst(%arg6 : memref<128x128xf32, #tpu.memory_space<vmem>>)
      %dma_wait3A_88 = arith.constant 0 : i32
      %dma_wait3A_89 = tpu.memref_slice %arg3[%dma_wait3A_88] : memref<320000xi32, #tpu.memory_space<hbm>> -> memref<128xi32, #tpu.memory_space<hbm>>
      %dma_wait3A_90 = arith.constant 0 : i32
      %dma_wait3A_91 = tpu.memref_slice %arg3[%dma_wait3A_90] : memref<320000xi32, #tpu.memory_space<hbm>> -> memref<128xi32, #tpu.memory_space<hbm>>
      tpu.wait_dma2 semaphore(%arg14 : memref<!tpu.dma_semaphore, #tpu.memory_space<semaphore_mem>>) src(%dma_wait3A_91 : memref<128xi32, #tpu.memory_space<hbm>>) dst(%arg8 : memref<128xi32, #tpu.memory_space<vmem>>)
      "tpu.region"() ({
        %run_scoped3A = tpu.sem_alloc : memref<!tpu.dma_semaphore, #tpu.memory_space<semaphore_mem>>
        %dma_start3A_100 = arith.constant 0 : i32
        %dma_start3A_101 = arith.constant 0 : i32
        %dma_start3A_102 = tpu.memref_slice %arg10[%dma_start3A_100, %dma_start3A_101] : memref<10000x128xf32, #tpu.memory_space<vmem_shared>> -> memref<10000x128xf32, #tpu.memory_space<vmem_shared>>
        tpu.enqueue_indirect_dma source(%arg6 : memref<128x128xf32, #tpu.memory_space<vmem>>) target(%dma_start3A_102 : memref<10000x128xf32, #tpu.memory_space<vmem_shared>>) offsets(%arg8 : memref<128xi32, #tpu.memory_space<vmem>>) semaphore(%run_scoped3A : memref<!tpu.dma_semaphore, #tpu.memory_space<semaphore_mem>>) {add = true}
        %dma_wait3A_103 = arith.constant 0 : i32
        %dma_wait3A_104 = arith.constant 0 : i32
        %dma_wait3A_105 = tpu.memref_slice %arg10[%dma_wait3A_103, %dma_wait3A_104] : memref<10000x128xf32, #tpu.memory_space<vmem_shared>> -> memref<10000x128xf32, #tpu.memory_space<vmem_shared>>
        tpu.wait_indirect_dma semaphore(%run_scoped3A : memref<!tpu.dma_semaphore, #tpu.memory_space<semaphore_mem>>) src(%arg6 : memref<128x128xf32, #tpu.memory_space<vmem>>) dst(%dma_wait3A_105 : memref<10000x128xf32, #tpu.memory_space<vmem_shared>>)
        tpu.yield
      }) : () -> ()
      %mul3A_92 = arith.constant 2 : i32
      %mul3A_93 = arith.muli %mul3A_92, %add3A_64 : i32
      %add3A_94 = arith.constant 3 : i32
      %add3A_95 = arith.addi %mul3A_93, %add3A_94 : i32
      %lt3A_96 = arith.cmpi slt, %add3A_95, %add3A_2 : i32
      %convert_element_type3A_97 = arith.extui %lt3A_96 : i1 to i32
      %cond3A_98 = arith.constant 0 : i32
      %cond3A_99 = arith.cmpi ne, %convert_element_type3A_97, %cond3A_98 : i32
      scf.if %cond3A_99 {
        %mul3A_100 = arith.constant 2 : i32
        %mul3A_101 = arith.muli %mul3A_100, %add3A_64 : i32
        %add3A_102 = arith.addi %add3A_8, %mul3A_101 : i32
        %add3A_103 = arith.constant 3 : i32
        %add3A_104 = arith.addi %add3A_102, %add3A_103 : i32
        %mul3A_105 = arith.constant 128 : i32
        %mul3A_106 = arith.muli %add3A_104, %mul3A_105 : i32
        %dma_start3A_107 = arith.constant 0 : i32
        %dma_start3A_108 = tpu.memref_slice %arg2[%mul3A_106, %dma_start3A_107] : memref<320000x128xf32, #tpu.memory_space<hbm>> -> memref<128x128xf32, #tpu.memory_space<hbm>>
        %dma_start3A_109 = arith.constant 0 : i32
        %dma_start3A_110 = tpu.memref_slice %arg2[%mul3A_106, %dma_start3A_109] : memref<320000x128xf32, #tpu.memory_space<hbm>> -> memref<128x128xf32, #tpu.memory_space<hbm>>
        tpu.enqueue_dma source(%dma_start3A_110 : memref<128x128xf32, #tpu.memory_space<hbm>>) target(%arg6 : memref<128x128xf32, #tpu.memory_space<vmem>>) target_semaphore(%arg12 : memref<!tpu.dma_semaphore, #tpu.memory_space<semaphore_mem>>)
        %dma_start3A_111 = tpu.memref_slice %arg3[%mul3A_106] : memref<320000xi32, #tpu.memory_space<hbm>> -> memref<128xi32, #tpu.memory_space<hbm>>
        %dma_start3A_112 = tpu.memref_slice %arg3[%mul3A_106] : memref<320000xi32, #tpu.memory_space<hbm>> -> memref<128xi32, #tpu.memory_space<hbm>>
        tpu.enqueue_dma source(%dma_start3A_112 : memref<128xi32, #tpu.memory_space<hbm>>) target(%arg8 : memref<128xi32, #tpu.memory_space<vmem>>) target_semaphore(%arg14 : memref<!tpu.dma_semaphore, #tpu.memory_space<semaphore_mem>>)
      } else {
      }
    }
    %scan3A_42 = arith.constant 39 : i32
    %gt3A = arith.constant 78 : i32
    %gt3A_43 = arith.cmpi sgt, %add3A_2, %gt3A : i32
    %convert_element_type3A_44 = arith.extui %gt3A_43 : i1 to i32
    %cond3A_45 = arith.constant 0 : i32
    %cond3A_46 = arith.cmpi ne, %convert_element_type3A_44, %cond3A_45 : i32
    scf.if %cond3A_46 {
      %dma_wait3A = arith.constant 0 : i32
      %dma_wait3A_60 = arith.constant 0 : i32
      %dma_wait3A_61 = tpu.memref_slice %arg2[%dma_wait3A, %dma_wait3A_60] : memref<320000x128xf32, #tpu.memory_space<hbm>> -> memref<128x128xf32, #tpu.memory_space<hbm>>
      %dma_wait3A_62 = arith.constant 0 : i32
      %dma_wait3A_63 = arith.constant 0 : i32
      %dma_wait3A_64 = tpu.memref_slice %arg2[%dma_wait3A_62, %dma_wait3A_63] : memref<320000x128xf32, #tpu.memory_space<hbm>> -> memref<128x128xf32, #tpu.memory_space<hbm>>
      tpu.wait_dma2 semaphore(%arg11 : memref<!tpu.dma_semaphore, #tpu.memory_space<semaphore_mem>>) src(%dma_wait3A_64 : memref<128x128xf32, #tpu.memory_space<hbm>>) dst(%arg5 : memref<128x128xf32, #tpu.memory_space<vmem>>)
      %dma_wait3A_65 = arith.constant 0 : i32
      %dma_wait3A_66 = tpu.memref_slice %arg3[%dma_wait3A_65] : memref<320000xi32, #tpu.memory_space<hbm>> -> memref<128xi32, #tpu.memory_space<hbm>>
      %dma_wait3A_67 = arith.constant 0 : i32
      %dma_wait3A_68 = tpu.memref_slice %arg3[%dma_wait3A_67] : memref<320000xi32, #tpu.memory_space<hbm>> -> memref<128xi32, #tpu.memory_space<hbm>>
      tpu.wait_dma2 semaphore(%arg13 : memref<!tpu.dma_semaphore, #tpu.memory_space<semaphore_mem>>) src(%dma_wait3A_68 : memref<128xi32, #tpu.memory_space<hbm>>) dst(%arg7 : memref<128xi32, #tpu.memory_space<vmem>>)
      "tpu.region"() ({
        %run_scoped3A = tpu.sem_alloc : memref<!tpu.dma_semaphore, #tpu.memory_space<semaphore_mem>>
        %dma_start3A_69 = arith.constant 0 : i32
        %dma_start3A_70 = arith.constant 0 : i32
        %dma_start3A_71 = tpu.memref_slice %arg10[%dma_start3A_69, %dma_start3A_70] : memref<10000x128xf32, #tpu.memory_space<vmem_shared>> -> memref<10000x128xf32, #tpu.memory_space<vmem_shared>>
        tpu.enqueue_indirect_dma source(%arg5 : memref<128x128xf32, #tpu.memory_space<vmem>>) target(%dma_start3A_71 : memref<10000x128xf32, #tpu.memory_space<vmem_shared>>) offsets(%arg7 : memref<128xi32, #tpu.memory_space<vmem>>) semaphore(%run_scoped3A : memref<!tpu.dma_semaphore, #tpu.memory_space<semaphore_mem>>) {add = true}
        %dma_wait3A_72 = arith.constant 0 : i32
        %dma_wait3A_73 = arith.constant 0 : i32
        %dma_wait3A_74 = tpu.memref_slice %arg10[%dma_wait3A_72, %dma_wait3A_73] : memref<10000x128xf32, #tpu.memory_space<vmem_shared>> -> memref<10000x128xf32, #tpu.memory_space<vmem_shared>>
        tpu.wait_indirect_dma semaphore(%run_scoped3A : memref<!tpu.dma_semaphore, #tpu.memory_space<semaphore_mem>>) src(%arg5 : memref<128x128xf32, #tpu.memory_space<vmem>>) dst(%dma_wait3A_74 : memref<10000x128xf32, #tpu.memory_space<vmem_shared>>)
        tpu.yield
      }) : () -> ()
    } else {
    }
    %barrier3A_47 = arith.constant 0 : index
    tpu.barrier barrier_id(%barrier3A_47)
    %mul3A_48 = arith.constant 624 : i32
    %mul3A_49 = arith.muli %arg1, %mul3A_48 : i32
    %mul3A_50 = arith.constant 10000 : i32
    %mul3A_51 = arith.muli %arg0, %mul3A_50 : i32
    %mul3A_52 = arith.constant 624 : i32
    %mul3A_53 = arith.muli %arg1, %mul3A_52 : i32
    %add3A_54 = arith.addi %mul3A_51, %mul3A_53 : i32
    "tpu.region"() ({
      %run_scoped3A = tpu.sem_alloc : memref<!tpu.dma_semaphore, #tpu.memory_space<semaphore_mem>>
      %dma_start3A_60 = arith.constant 0 : i32
      %dma_start3A_61 = tpu.memref_slice %arg4[%add3A_54, %dma_start3A_60] : memref<20000x128xf32, #tpu.memory_space<hbm>> -> memref<624x128xf32, #tpu.memory_space<hbm>>
      %dma_start3A_62 = arith.constant 0 : i32
      %dma_start3A_63 = tpu.memref_slice %arg10[%mul3A_49, %dma_start3A_62] : memref<10000x128xf32, #tpu.memory_space<vmem_shared>> -> memref<624x128xf32, #tpu.memory_space<vmem_shared>>
      tpu.enqueue_dma source(%dma_start3A_63 : memref<624x128xf32, #tpu.memory_space<vmem_shared>>) target(%dma_start3A_61 : memref<624x128xf32, #tpu.memory_space<hbm>>) target_semaphore(%run_scoped3A : memref<!tpu.dma_semaphore, #tpu.memory_space<semaphore_mem>>)
      %dma_wait3A = arith.constant 0 : i32
      %dma_wait3A_64 = tpu.memref_slice %arg4[%add3A_54, %dma_wait3A] : memref<20000x128xf32, #tpu.memory_space<hbm>> -> memref<624x128xf32, #tpu.memory_space<hbm>>
      %dma_wait3A_65 = arith.constant 0 : i32
      %dma_wait3A_66 = tpu.memref_slice %arg10[%mul3A_49, %dma_wait3A_65] : memref<10000x128xf32, #tpu.memory_space<vmem_shared>> -> memref<624x128xf32, #tpu.memory_space<vmem_shared>>
      tpu.wait_dma2 semaphore(%run_scoped3A : memref<!tpu.dma_semaphore, #tpu.memory_space<semaphore_mem>>) src(%dma_wait3A_66 : memref<624x128xf32, #tpu.memory_space<vmem_shared>>) dst(%dma_wait3A_64 : memref<624x128xf32, #tpu.memory_space<hbm>>)
      tpu.yield
    }) : () -> ()
    %eq3A_55 = arith.constant 15 : i32
    %eq3A_56 = arith.cmpi eq, %arg1, %eq3A_55 : i32
    %convert_element_type3A_57 = arith.extui %eq3A_56 : i1 to i32
    %cond3A_58 = arith.constant 0 : i32
    %cond3A_59 = arith.cmpi ne, %convert_element_type3A_57, %cond3A_58 : i32
    scf.if %cond3A_59 {
      %mul3A_60 = arith.constant 10000 : i32
      %mul3A_61 = arith.muli %arg0, %mul3A_60 : i32
      %add3A_62 = arith.constant 9984 : i32
      %add3A_63 = arith.addi %mul3A_61, %add3A_62 : i32
      "tpu.region"() ({
        %run_scoped3A = tpu.sem_alloc : memref<!tpu.dma_semaphore, #tpu.memory_space<semaphore_mem>>
        %dma_start3A_64 = arith.constant 0 : i32
        %dma_start3A_65 = tpu.memref_slice %arg4[%add3A_63, %dma_start3A_64] : memref<20000x128xf32, #tpu.memory_space<hbm>> -> memref<16x128xf32, #tpu.memory_space<hbm>>
        %dma_start3A_66 = arith.constant 9984 : i32
        %dma_start3A_67 = arith.constant 0 : i32
        %dma_start3A_68 = tpu.memref_slice %arg10[%dma_start3A_66, %dma_start3A_67] : memref<10000x128xf32, #tpu.memory_space<vmem_shared>> -> memref<16x128xf32, #tpu.memory_space<vmem_shared>>
        tpu.enqueue_dma source(%dma_start3A_68 : memref<16x128xf32, #tpu.memory_space<vmem_shared>>) target(%dma_start3A_65 : memref<16x128xf32, #tpu.memory_space<hbm>>) target_semaphore(%run_scoped3A : memref<!tpu.dma_semaphore, #tpu.memory_space<semaphore_mem>>)
        %dma_wait3A = arith.constant 0 : i32
        %dma_wait3A_69 = tpu.memref_slice %arg4[%add3A_63, %dma_wait3A] : memref<20000x128xf32, #tpu.memory_space<hbm>> -> memref<16x128xf32, #tpu.memory_space<hbm>>
        %dma_wait3A_70 = arith.constant 9984 : i32
        %dma_wait3A_71 = arith.constant 0 : i32
        %dma_wait3A_72 = tpu.memref_slice %arg10[%dma_wait3A_70, %dma_wait3A_71] : memref<10000x128xf32, #tpu.memory_space<vmem_shared>> -> memref<16x128xf32, #tpu.memory_space<vmem_shared>>
        tpu.wait_dma2 semaphore(%run_scoped3A : memref<!tpu.dma_semaphore, #tpu.memory_space<semaphore_mem>>) src(%dma_wait3A_72 : memref<16x128xf32, #tpu.memory_space<vmem_shared>>) dst(%dma_wait3A_69 : memref<16x128xf32, #tpu.memory_space<hbm>>)
        tpu.yield
      }) : () -> ()
    } else {
    }
    return
  }
}

module attributes {stable_mosaic.version = 14 : i64} {
  func.func @body(%arg0: i32, %arg1: memref<1000x128xf32, #tpu.memory_space<vmem>>, %arg2: memref<1000x128xf32, #tpu.memory_space<vmem>>, %arg3: memref<128x32xf32, #tpu.memory_space<vmem>>, %arg4: memref<1x32xf32, #tpu.memory_space<vmem>>, %arg5: memref<32x1xf32, #tpu.memory_space<vmem>>, %arg6: memref<1x1xf32, #tpu.memory_space<vmem>>, %arg7: memref<1000x1xf32, #tpu.memory_space<vmem>>) attributes {dimension_semantics = [#tpu.dimension_semantics<arbitrary>], iteration_bounds = array<i64: 10>, scalar_prefetch = 0 : i64, scratch_operands = 0 : i64, tpu.core_type = #tpu.core_type<tc>, window_params = [{transform_indices = @transform_0, window_bounds = array<i64: 1000, 128>}, {transform_indices = @transform_1, window_bounds = array<i64: 1000, 128>}, {pipeline_mode = #tpu.pipeline_mode<synchronous>, transform_indices = @transform_2, window_bounds = array<i64: 128, 32>}, {pipeline_mode = #tpu.pipeline_mode<synchronous>, transform_indices = @transform_3, window_bounds = array<i64: 1, 32>}, {pipeline_mode = #tpu.pipeline_mode<synchronous>, transform_indices = @transform_4, window_bounds = array<i64: 32, 1>}, {pipeline_mode = #tpu.pipeline_mode<synchronous>, transform_indices = @transform_5, window_bounds = array<i64: 1, 1>}, {transform_indices = @transform_6, window_bounds = array<i64: 1000, 1>}]} {
    %get3A = arith.constant 0 : index
    %get3A_0 = arith.constant 0 : index
    %get3A_1 = vector.load %arg1[%get3A, %get3A_0] : memref<1000x128xf32, #tpu.memory_space<vmem>>, vector<1000x128xf32>
    %get3A_2 = arith.constant 0 : index
    %get3A_3 = arith.constant 0 : index
    %get3A_4 = vector.load %arg2[%get3A_2, %get3A_3] : memref<1000x128xf32, #tpu.memory_space<vmem>>, vector<1000x128xf32>
    %add3A = arith.addf %get3A_1, %get3A_4 : vector<1000x128xf32>
    %get3A_5 = arith.constant 0 : index
    %get3A_6 = arith.constant 0 : index
    %get3A_7 = vector.load %arg3[%get3A_5, %get3A_6] : memref<128x32xf32, #tpu.memory_space<vmem>>, vector<128x32xf32>
    %dot_general3A = arith.constant dense<0.000000e+00> : vector<1000x32xf32>
    %dot_general3A_8 = tpu.matmul %add3A, %get3A_7, %dot_general3A {dimension_numbers = #tpu.dot_dimension_numbers<[1], [0], [0], [1], [0, 0, 1, 1], [], []>, precision = #tpu.contract_precision<fp32>, transpose_lhs_hint = false} : vector<1000x128xf32>, vector<128x32xf32>, vector<1000x32xf32> -> vector<1000x32xf32>
    %get3A_9 = arith.constant 0 : index
    %get3A_10 = arith.constant 0 : index
    %get3A_11 = vector.load %arg4[%get3A_9, %get3A_10] : memref<1x32xf32, #tpu.memory_space<vmem>>, vector<1x32xf32>
    %add3A_12 = vector.broadcast %get3A_11 : vector<1x32xf32> to vector<1000x32xf32>
    %add3A_13 = arith.addf %dot_general3A_8, %add3A_12 : vector<1000x32xf32>
    %max3A = arith.constant 0.000000e+00 : f32
    %max3A_14 = vector.broadcast %max3A : f32 to vector<1000x32xf32>
    %max3A_15 = arith.maximumf %add3A_13, %max3A_14 : vector<1000x32xf32>
    %abs3A = math.absf %add3A_13 : vector<1000x32xf32>
    %neg3A = arith.constant 0.000000e+00 : f32
    %neg3A_16 = vector.broadcast %neg3A : f32 to vector<1000x32xf32>
    %neg3A_17 = arith.subf %neg3A_16, %abs3A : vector<1000x32xf32>
    %exp3A = math.exp %neg3A_17 : vector<1000x32xf32>
    %log1p3A = math.log1p %exp3A : vector<1000x32xf32>
    %add3A_18 = arith.addf %max3A_15, %log1p3A : vector<1000x32xf32>
    %log3A = arith.constant 2.000000e+00 : f32
    %log3A_19 = math.log %log3A : f32
    %sub3A = vector.broadcast %log3A_19 : f32 to vector<1000x32xf32>
    %sub3A_20 = arith.subf %add3A_18, %sub3A : vector<1000x32xf32>
    %get3A_21 = arith.constant 0 : index
    %get3A_22 = arith.constant 0 : index
    %get3A_23 = vector.load %arg5[%get3A_21, %get3A_22] : memref<32x1xf32, #tpu.memory_space<vmem>>, vector<32x1xf32>
    %dot_general3A_24 = arith.constant dense<0.000000e+00> : vector<1000x1xf32>
    %dot_general3A_25 = tpu.matmul %sub3A_20, %get3A_23, %dot_general3A_24 {dimension_numbers = #tpu.dot_dimension_numbers<[1], [0], [0], [1], [0, 0, 1, 1], [], []>, precision = #tpu.contract_precision<fp32>, transpose_lhs_hint = false} : vector<1000x32xf32>, vector<32x1xf32>, vector<1000x1xf32> -> vector<1000x1xf32>
    %get3A_26 = arith.constant 0 : index
    %get3A_27 = arith.constant 0 : index
    %get3A_28 = vector.load %arg6[%get3A_26, %get3A_27] : memref<1x1xf32, #tpu.memory_space<vmem>>, vector<1x1xf32>
    %add3A_29 = vector.broadcast %get3A_28 : vector<1x1xf32> to vector<1000x1xf32>
    %add3A_30 = arith.addf %dot_general3A_25, %add3A_29 : vector<1000x1xf32>
    %max3A_31 = arith.constant 0.000000e+00 : f32
    %max3A_32 = vector.broadcast %max3A_31 : f32 to vector<1000x1xf32>
    %max3A_33 = arith.maximumf %add3A_30, %max3A_32 : vector<1000x1xf32>
    %abs3A_34 = math.absf %add3A_30 : vector<1000x1xf32>
    %neg3A_35 = arith.constant 0.000000e+00 : f32
    %neg3A_36 = vector.broadcast %neg3A_35 : f32 to vector<1000x1xf32>
    %neg3A_37 = arith.subf %neg3A_36, %abs3A_34 : vector<1000x1xf32>
    %exp3A_38 = math.exp %neg3A_37 : vector<1000x1xf32>
    %log1p3A_39 = math.log1p %exp3A_38 : vector<1000x1xf32>
    %add3A_40 = arith.addf %max3A_33, %log1p3A_39 : vector<1000x1xf32>
    %log3A_41 = arith.constant 2.000000e+00 : f32
    %log3A_42 = math.log %log3A_41 : f32
    %sub3A_43 = vector.broadcast %log3A_42 : f32 to vector<1000x1xf32>
    %sub3A_44 = arith.subf %add3A_40, %sub3A_43 : vector<1000x1xf32>
    %swap3A = arith.constant 0 : index
    %swap3A_45 = arith.constant 0 : index
    %swap3A_46 = vector.load %arg7[%swap3A, %swap3A_45] : memref<1000x1xf32, #tpu.memory_space<vmem>>, vector<1000x1xf32>
    tpu.vector_store %arg7[%swap3A, %swap3A_45], %sub3A_44 {strides = array<i32>} : memref<1000x1xf32, #tpu.memory_space<vmem>>, vector<1000x1xf32>,
    return
  }
  func.func @transform_0(%arg0: i32) -> (i32, i32) {
    %c0_i32 = arith.constant 0 : i32
    %c0_i32_0 = arith.constant 0 : i32
    return %arg0, %c0_i32 : i32, i32
  }
  func.func @transform_1(%arg0: i32) -> (i32, i32) {
    %add3A = arith.constant 10 : i32
    %add3A_0 = arith.addi %arg0, %add3A : i32
    %c0_i32 = arith.constant 0 : i32
    %c0_i32_1 = arith.constant 0 : i32
    return %add3A_0, %c0_i32 : i32, i32
  }
  func.func @transform_2(%arg0: i32) -> (i32, i32) {
    %c0_i32 = arith.constant 0 : i32
    %c0_i32_0 = arith.constant 0 : i32
    %c0_i32_1 = arith.constant 0 : i32
    return %c0_i32, %c0_i32_0 : i32, i32
  }
  func.func @transform_3(%arg0: i32) -> (i32, i32) {
    %c0_i32 = arith.constant 0 : i32
    %c0_i32_0 = arith.constant 0 : i32
    %c0_i32_1 = arith.constant 0 : i32
    return %c0_i32, %c0_i32_0 : i32, i32
  }
  func.func @transform_4(%arg0: i32) -> (i32, i32) {
    %c0_i32 = arith.constant 0 : i32
    %c0_i32_0 = arith.constant 0 : i32
    %c0_i32_1 = arith.constant 0 : i32
    return %c0_i32, %c0_i32_0 : i32, i32
  }
  func.func @transform_5(%arg0: i32) -> (i32, i32) {
    %c0_i32 = arith.constant 0 : i32
    %c0_i32_0 = arith.constant 0 : i32
    %c0_i32_1 = arith.constant 0 : i32
    return %c0_i32, %c0_i32_0 : i32, i32
  }
  func.func @transform_6(%arg0: i32) -> (i32, i32) {
    %c0_i32 = arith.constant 0 : i32
    %c0_i32_0 = arith.constant 0 : i32
    return %arg0, %c0_i32 : i32, i32
  }
}

</mosaic_0001>

<sc_bundles>
// kernel: kernel.4.cloned.1.call-start
scs
__scs_entry_jumppad:
0x0: {  	(pc) =	sbr.rel $0x88, $3  }
0x1: {  	(tag) =	ssettag $0x0;
	lr =	simm.s32 $0x1  }
0x2: {  	[smem:$0x3F9B] =	sst lr;
	_ =	strace $0xD0000000  }
0x3: {  	_ = 	snop  }
0x4: {  	_ = 	snop  }
0x5: {  	_ = 	snop  }
0x6: {  	_ = 	snop  }
0x7: {  	_ = 	snop  }
__scs_overlays_trampoline_lowered:
0x8: {  	[smem:$0x3FAA] =	sst s0  }
0x9: {  	[smem:$0x3FAB] =	sst s1  }
0xa: {  	[smem:$0x3FAC] =	sst s2  }
0xb: {  	[smem:$0x3FAD] =	sst s3  }
0xc: {  	[smem:$0x3FAE] =	sst s4  }
0xd: {  	[smem:$0x3FAF] =	sst s5  }
0xe: {  	[smem:$0x3FB0] =	sst s6  }
0xf: {  	[smem:$0x3FB1] =	sst s7  }
0x10: {  	[smem:$0x3FB2] =	sst s8  }
0x11: {  	[smem:$0x3FB3] =	sst s9;
	s0 =	simm.s32 @!p0 $0x0  }
0x12: {  	s1 =	sld [smem:$0x3F99];
	s0 =	simm.s32 @p0 $0x1  }
0x13: {  	[smem:$0x3FB4] =	sst s0;
	s0 =	simm.s32 @!p1 $0x0  }
0x14: {  	s2 =	sld [smem:$0x3F98];
	s0 =	simm.s32 @p1 $0x1  }
0x15: {  	[smem:$0x3FB5] =	sst s0;
	s0 =	simm.s32 @!p2 $0x0  }
0x16: {  	s3 =	sld [smem:$0x3FDB];
	s0 =	simm.s32 @p2 $0x1  }
0x17: {  	s4 =	simm.s32 $0x1BF5;
	[smem:$0x3FB7] =	sst s0  }
0x18: {  	s0 =	sld [smem:$0x3F9A];
	_ =	swait.ge [sflag:s4], $0x0  }
0x19: {  	s7 =	sld [smem:$0x3F9B]  }
0x1a: {  	s8 =	sadd.s32 $0xFFFFE003, lr  }
0x1b: {  	s9 =	sadd.s32 $0xFFFFFEF7, lr;
	s5 =	simm.s32 $0xFFFFFFFF;
	p2 =	slt.u32 s8, $0xFFFFF086  }
0x1c: {  	p1 =	slt.u32 s9, $0xF7A;
	s5 =	simm.s32 @!p2 $0x0  }
0x1d: {  	s5 =	simm.s32 @p1 $0x1;
	p0 =	seq.s32 s7, s2  }
0x1e: {  	s7 =	smul.u32 @!p0 $0xF7A, s2;
	p2 =	seq.s32 @!p0 s5, $0x0  }
0x1f: {  	s9 =	smul.u32 $0xF7A, s1;
	s8 =	simm.s32 @!p0 $0x1BF5;
	p2 =	por !p2, p0  }
0x20: {  	[sflag:s8] =	ssyncset.s32 @!p0 $0xFFFFF086;
	s6 =	sadd.s32 @!p0 s3, s7;
	s7 =	simm.s32 @!p0 $0x108  }
0x21: {  	s3 =	sadd.s32 s3, s9;
	s6 =	sadd.s32 @!p0 $0x88, s6;
	s7 =	simm.s32 @p2 $0x1082  }
0x22: {  	[simem:s7], [sflag:s8] =	dma.local @!p0 [hbm:s6], $0xF7A  }
0x23: {  	s9 =	sor.u32 $0xD0000000, s2;
	s6 =	simm.s32 $0x108;
	_ =	swait.ge @!p0 [sflag:s8], $0x0  }
0x24: {  	s3 =	sadd.s32 $0x88, s3;
	s6 =	simm.s32 @!p1 $0x1082;
	[sflag:s4] =	ssyncset.s32 $0xFFFFF086  }
0x25: {  	[simem:s6], [sflag:s4] =	dma.local [hbm:s3], $0xF7A  }
0x26: {  	[smem:$0x3F9B] =	sst s1;
	(tag) =	ssettag s2;
	_ =	strace s9  }
0x27: {  	s1 =	sld [smem:$0x3FAB]  }
0x28: {  	s2 =	sld [smem:$0x3FAC]  }
0x29: {  	s4 =	sld [smem:$0x3FAE]  }
0x2a: {  	p0 =	seq.s32 s5, $0x0;
	s5 =	sld [smem:$0x3FAF]  }
0x2b: {  	s6 =	sld [smem:$0x3FB0]  }
0x2c: {  	s7 =	sld [smem:$0x3FB1]  }
0x2d: {  	s3 =	simm.s32 $0x108;
	s8 =	sld [smem:$0x3FB2]  }
0x2e: {  	s3 =	simm.s32 @!p0 $0x1082;
	s9 =	sld [smem:$0x3FB3]  }
0x2f: {  	lr =	sadd.s32 s0, s3;
	s0 =	sld [smem:$0x3FAA]  }
0x30: {  	s3 =	sld [smem:$0x3FAD]  }
0x31: {  	[smem:$0x3FB6] =	sst s10  }
0x32: {  	s10 =	sld [smem:$0x3FB4];
	_ =	sdelay $0x3  }
0x33: {  	p0 =	seq.s32 s10, $0x1;
	s10 =	sld [smem:$0x3FB6];
	_ =	sdelay $0x3  }
0x34: {  	[smem:$0x3FB6] =	sst s10  }
0x35: {  	s10 =	sld [smem:$0x3FB5];
	_ =	sdelay $0x3  }
0x36: {  	p1 =	seq.s32 s10, $0x1;
	s10 =	sld [smem:$0x3FB6];
	_ =	sdelay $0x3  }
0x37: {  	[smem:$0x3FB6] =	sst s10  }
0x38: {  	s10 =	sld [smem:$0x3FB7]  }
0x39: {  	_ = 	snop;
	(pc) =	sbr.ind lr, $3  }
0x3a: {  	_ = 	snop  }
0x3b: {  	_ = 	snop  }
0x3c: {  	p2 =	seq.s32 s10, $0x1;
	s10 =	sld [smem:$0x3FB6]  }
0x3d: {  	_ =	shalt  }
0x3e: {  	_ =	shalt  }
0x3f: {  	_ =	shalt  }
0x40: {  	_ =	shalt  }
0x41: {  	_ =	shalt  }
0x42: {  	_ =	shalt  }
0x43: {  	_ =	shalt  }
0x44: {  	_ =	shalt  }
0x45: {  	_ =	shalt  }
0x46: {  	_ =	shalt  }
0x47: {  	_ =	shalt  }
0x48: {  	_ =	shalt  }
0x49: {  	_ =	shalt  }
0x4a: {  	_ =	shalt  }
0x4b: {  	_ =	shalt  }
0x4c: {  	_ =	shalt  }
0x4d: {  	_ =	shalt  }
0x4e: {  	_ =	shalt  }
0x4f: {  	_ =	shalt  }
0x50: {  	_ =	shalt  }
0x51: {  	_ =	shalt  }
0x52: {  	_ =	shalt  }
0x53: {  	_ =	shalt  }
0x54: {  	_ =	shalt  }
0x55: {  	_ =	shalt  }
0x56: {  	_ =	shalt  }
0x57: {  	_ =	shalt  }
0x58: {  	_ =	shalt  }
0x59: {  	_ =	shalt  }
0x5a: {  	_ =	shalt  }
0x5b: {  	_ =	shalt  }
0x5c: {  	_ =	shalt  }
0x5d: {  	_ =	shalt  }
0x5e: {  	_ =	shalt  }
0x5f: {  	_ =	shalt  }
0x60: {  	_ =	shalt  }
0x61: {  	_ =	shalt  }
0x62: {  	_ =	shalt  }
0x63: {  	_ =	shalt  }
0x64: {  	_ =	shalt  }
0x65: {  	_ =	shalt  }
0x66: {  	_ =	shalt  }
0x67: {  	_ =	shalt  }
0x68: {  	_ =	shalt  }
0x69: {  	_ =	shalt  }
0x6a: {  	_ =	shalt  }
0x6b: {  	_ =	shalt  }
0x6c: {  	_ =	shalt  }
0x6d: {  	_ =	shalt  }
0x6e: {  	_ =	shalt  }
0x6f: {  	_ =	shalt  }
0x70: {  	_ =	shalt  }
0x71: {  	_ =	shalt  }
0x72: {  	_ =	shalt  }
0x73: {  	_ =	shalt  }
0x74: {  	_ =	shalt  }
0x75: {  	_ =	shalt  }
0x76: {  	_ =	shalt  }
0x77: {  	_ =	shalt  }
0x78: {  	_ =	shalt  }
0x79: {  	_ =	shalt  }
0x7a: {  	_ =	shalt  }
0x7b: {  	_ =	shalt  }
0x7c: {  	_ =	shalt  }
0x7d: {  	_ =	shalt  }
0x7e: {  	_ =	shalt  }
0x7f: {  	_ =	shalt  }
0x80: {  	_ =	shalt  }
0x81: {  	_ =	shalt  }
0x82: {  	_ =	shalt  }
0x83: {  	_ =	shalt  }
0x84: {  	_ =	shalt  }
0x85: {  	_ =	shalt  }
0x86: {  	_ =	shalt  }
0x87: {  	_ =	shalt  }
.Lfunc_end0:
.L_simem_size_0:
called_computation_lowered:
.L_overlay_start_0:
0x88: {  	s2 =	sld [smem:$0x3FD9]  }
0x89: {  	s3 =	sld [smem:$0x3FFE];
	_ =	sdelay $0x1  }
0x8a: {  	s1 =	srdreg.scid  }
0x8b: {  	s0 =	sand.u32 $0x1, s1  }
0x8c: {  	s17 =	sshll.u32 s0, $0xA;
	s2 =	sadd.s32 s3, s2  }
0x8d: {  	s2 =	sadd.s32 s2, s17  }
0x8e: {  	[smem:$0x3FC2] =	sst s2  }
0x8f: {  	_ = 	snop  }
0x90: {  	s2 =	sld [smem:$0x3FC9]  }
0x91: {  	s18 =	sld [smem:$0x3FC8];
	(tm) =	ssettm $0x1  }
0x92: {  	s4 =	sld [smem:$0x3FFB];
	_ =	sdelay $0x3  }
0x93: {  	_ =	strace s4  }
0x94: {  	s4 =	sld [smem:$0x3FFC];
	_ =	sdelay $0x3  }
0x95: {  	_ =	strace s4  }
0x96: {  	s4 =	sld [smem:$0x3FFD];
	_ =	sdelay $0x3  }
0x97: {  	_ =	strace s4  }
0x98: {  	_ =	strace $0x8FFFFFFF  }
0x99: {  	s19 =	sld [smem:$0x3FDB];
	_ =	sdelay $0x1  }
0x9a: {  	s5 =	simm.s32 $_scs_section_size  }
0x9b: {  	s6 =	simm.s32 $_size__tile_overlayer_lowered;
	s7 =	simm.s32 $_tile_overlayer_lowered  }
0x9c: {  	s22 =	simm.s32 $0x1BFF;
	s21 =	sshll.u32 s7, $0x1;
	s4 =	sadd.s32 s5, s19  }
0x9d: {  	s8 =	simm.s32 $0x0;
	s20 =	sshll.u32 s6, $0x1;
	s6 =	sadd.s32 s21, s4  }
0x9e: {  	[timem:s8], [sflag:s22] =	dma.local [hbm:s6], s20  }
0x9f: {  	_ =	swait.ge [sflag:s22], s20  }
0xa0: {  	s5 =	ssub.s32 $0x0, s20;
	[sflag:s22] =	ssyncset.done $0x0  }
0xa1: {  	[sflag:s22] =	ssyncadd.s32 s5;
	_ =	sdelay $0x1  }
0xa2: {  	s23 =	simm.s32 $0x1B8B  }
0xa3: {  	_ =	swait.ge [sflag:s23], $0x1  }
0xa4: {  	[sflag:s23] =	ssyncset.done $0x0  }
0xa5: {  	s25 =	simm.s32 $0x1B8E;
	s24 =	sld [smem:$0x3FFE];
	[sflag:s23] =	ssyncadd.s32 $0xFFFFFFFF  }
0xa6: {  	s26 =	simm.s32 $execute0_lowered;
	[smem:$0x3FD2] =	sst s25  }
0xa7: {  	s6 =	sshll.u32 s26, $0x1;
	_ =	strace $0x80000046;
	[dreg:$0x1] =	wrdreg $0xFFFFFFFF  }
0xa8: {  	s28 =	simm.s32 $_size_execute0_lowered;
	s4 =	sadd.s32 s4, s6;
	[dreg:$0x0] =	wrdreg $0x0  }
0xa9: {  	s6 =	sshll.u32 s28, $0x1;
	[dreg:$0x2] =	wrdreg s4  }
0xaa: {  	[dreg:$0x3] =	wrdreg s6  }
0xab: {  	[dreg:$0x4] =	wrdreg $0xC0  }
0xac: {  	_ =	task [dreg:s8], $0x5FFFF  }
0xad: {  	[dreg:$0x1] =	wrdreg $0xFFFFFFFF  }
0xae: {  	[dreg:$0x0] =	wrdreg $0x60  }
0xaf: {  	[dreg:$0x2] =	wrdreg s2  }
0xb0: {  	[dreg:$0x3] =	wrdreg s18  }
0xb1: {  	[dreg:$0x4] =	wrdreg s24  }
0xb2: {  	[dreg:$0x5] =	wrdreg $0x89000  }
0xb3: {  	[dreg:$0x6] =	wrdreg $0x9  }
0xb4: {  	_ =	task.clear_ibuf [dreg:s8], $0x7FFFF;
	_ =	strace $0x90000046  }
0xb5: {  	s29 =	simm.s32 $0x9;
	_ =	strace $0x80000048  }
0xb6: {  	_ =	swait.ge [sflag:s29], $0x1  }
0xb7: {  	[sflag:s29] =	ssyncadd.s32 $0xFFFFFFFF  }
0xb8: {  	_ =	strace $0x90000048  }
0xb9: {  	_ =	sfence  }
0xba: {  	s30 =	sld [smem:$0x0];
	_ =	sdelay $0x2  }
0xbb: {  	s31 =	sshll.u32 s1, $0xD;
	s1 =	sshrl.u32 s1, $0x2  }
0xbc: {  	s3 =	sand.u32 $0x4000, s31;
	s1 =	sadd.s32 s1, s30  }
0xbd: {  	s0 =	sor.u32 s3, s0;
	s1 =	sshll.u32 s1, $0x11  }
0xbe: {  	s0 =	sor.u32 s1, s0  }
0xbf: {  	s0 =	sadd.s32 $0x8F2B, s0  }
0xc0: {  	[sflag:s0] =	ssyncadd.remote.s32 $0x1  }
0xc1: {  	_ =	sfence.sel $0xFFFF  }
0xc2: {  	[dreg:$0x0] =	wrdreg $0xFFFFFFFF;
	(pc) =	sbr.abs _section_cstart, $3  }
0xc3: {  	[dreg:$0x1] =	wrdreg $0xFFFFFFFF  }
0xc4: {  	_ =	task.clear_ibuf [dreg:s8], $0x2FFFF;
	_ =	strace $0x9FFFFFFF  }
0xc5: {  	(tm) =	ssettm $0x7FFFFFFF  }
tec
execute0_lowered:
.L_overlay_start_1:
0x0: {  	(tag) =	ssettag $0x1  }
0x1: {  	s13 =	rddreg [dreg:$0x0]  }
0x2: {  	s14 =	rddreg [dreg:$0x1]  }
0x3: {  	s4 =	rddreg [dreg:$0x2];
	s2 =	srdreg.scid  }
0x4: {  	s1 =	rddreg [dreg:$0x3];
	s3 =	simm.s32 $0x0;
	s8 =	sand.u32 $0x1, s2  }
0x5: {  	s18 =	simm.s32 $0x8000;
	s2 =	stileid.u32;
	s5 =	smul.u32 $0x4E2, s8  }
0x6: {  	s19 =	simm.s32 $0x4000;
	s20 =	simm.s32 $0x8080;
	s6 =	smul.u32 $0x4E, s2  }
0x7: {  	s21 =	simm.s32 $0x1;
	[smem:$0x7FF] =	sst s3;
	s9 =	smul.u32 $0x4E000, s2  }
0x8: {  	s10 =	sadd.s32 $0xC00, s4;
	_ =	strace $0x80000047;
	s15 =	smul.u32 $0x27100, s8  }
0x9: {  	s7 =	ssub.s32 $0x2, s8;
	s22 =	smin.u32 s2, $0x2;
	s16 =	smul.u32 $0x138800, s8  }
0xa: {  	s17 =	smul.u32 $0x2700, s2;
	p0 =	sne.s32 s2, $0xF;
	s23 =	sshrl.u32 s7, $0x1  }
0xb: {  	p1 =	sgt.u32 s2, $0x1;
	s5 =	sadd.s32 s6, s5;
	s12 =	ssub.s32 s7, s23  }
0xc: {  	s24 =	sshrl.u32 s9, $0x2;
	s16 =	sshrl.u32 s16, $0x3;
	s15 =	sadd.s32 s17, s15  }
0xd: {  	s17 =	simm.s32 $0x5;
	s23 =	simm.s32 $0x80;
	s11 =	sadd.s32 s22, s5  }
0xe: {  	s4 =	sadd.s32 s24, s1;
	s5 =	sadd.s32 $0x138000, s1;
	s16 =	sadd.s32 s10, s16  }
0xf: {  	s10 =	sadd.s32 s10, s15;
	s12 =	smax.u32 s12, $0x1;
	s22 =	simm.s32 $0x3  }
0x10: {  	s24 =	simm.s32 $0x2;
	s6 =	sshll.u32 s11, $0xB;
	s25 =	sshll.u32 s11, $0x4  }
0x11: {  	s11 =	sshll.u32 s11, $0x7;
	s6 =	sadd.s32 s13, s6;
	s7 =	sadd.s32 s14, s25  }
0x12: {  	s26 =	sadd.s32 $0x80, s11;
	s29 =	sadd.s32 $0x2700, s11;
	s11 =	sadd.s32 $0x27000, s16  }
0x13: {  	s16 =	simm.s32 $0x8100;
	s25 =	simm.s32 $0x4;
	s28 =	sshll.u32 s26, $0x4  }
0x14: {  	s9 =	sshrl.u32 s26, $0x3;
	s30 =	sshll.u32 s29, $0x4;
	s31 =	sshrl.u32 s29, $0x3  }
0x15: {  	s15 =	sadd.s32 $0x20, s7;
	s26 =	simm.s32 $0x0;
	s8 =	sadd.s32 s13, s28  }
0x16: {  	v0 =	vimm.f32 $0.0e+00;
	s9 =	sadd.s32 s14, s9;
	s13 =	sadd.s32 s13, s30;
	s14 =	sadd.s32 s14, s31  }
.LBB2_1:
0x17: {  	s28 =	simm.s32 $0x0;
	s29 =	simm.s32 $0x200  }
.LBB2_2:
0x18: {  	p2 =	sne.s32 s29, $0x1E00;
	[tilespmem:s28+$0x8170] =	vst v0  }
0x19: {  	[tilespmem:s28+$0x8100] =	vst v0  }
0x1a: {  	[tilespmem:s28+$0x8110] =	vst v0  }
.Ltmp0:
0x1b: {  	[tilespmem:s28+$0x8120] =	vst v0;
	(pc) =	sbr.rel @p2 .LBB2_2-.Ltmp0, $4  }
0x1c: {  	[tilespmem:s28+$0x8130] =	vst v0  }
0x1d: {  	[tilespmem:s28+$0x8140] =	vst v0  }
0x1e: {  	[tilespmem:s28+$0x8150] =	vst v0  }
0x1f: {  	[tilespmem:s28+$0x8160] =	vst v0;
	s28 =	sshra.s32 s29, $0x2;
	s29 =	sadd.s32 $0x200, s29  }
0x20: {  	[tilespmem:s28+$0x8170] =	vst v0  }
0x21: {  	[tilespmem:s28+$0x8100] =	vst v0  }
0x22: {  	[tilespmem:s28+$0x8110] =	vst v0  }
0x23: {  	[tilespmem:s28+$0x8120] =	vst v0  }
0x24: {  	[tilespmem:s28+$0x8130] =	vst v0  }
0x25: {  	[tilespmem:s28+$0x8140] =	vst v0  }
0x26: {  	[tilespmem:s28+$0x8150] =	vst v0  }
0x27: {  	[tilespmem:s28+$0x8160] =	vst v0;
	s28 =	sadd.s32 $0x0, s4  }
0x28: {  	[spmem:s28] =	stream.linear.scatter [tilespmem:s16], [sflag:$0x5], $0x800, $0x38;
	[tilespmem:$0x1C180] =	vst v63  }
0x29: {  	s28 =	simm.s32 $0x2000;
	_ =	swait.ge [sflag:s17], $0x800  }
.LBB2_4:
0x2a: {  	s29 =	sshra.s32 s28, $0x2;
	[sflag:s17] =	ssyncset.done $0x0;
	p2 =	sne.s32 s28, $0x4C000  }
.Ltmp1:
0x2b: {  	s29 =	sadd.s32 s29, s4;
	[sflag:s17] =	ssyncadd.s32 $0xFFFFF800;
	(pc) =	sbr.rel @p2 .LBB2_4-.Ltmp1, $3  }
0x2c: {  	[spmem:s29] =	stream.linear.scatter [tilespmem:s16], [sflag:$0x5], $0x800, $0x38;
	[tilespmem:$0x1C180] =	vst v63  }
0x2d: {  	s28 =	sadd.s32 $0x2000, s28;
	_ =	sdelay $0x1  }
0x2e: {  	_ =	swait.ge [sflag:s17], $0x800  }
0x2f: {  	[sflag:s17] =	ssyncset.done $0x0  }
0x30: {  	s28 =	simm.s32 @!p0 $0x8100;
	[sflag:s17] =	ssyncadd.s32 $0xFFFFF800  }
0x31: {  	[spmem:s5] =	stream.linear.scatter @!p0 [tilespmem:s28], [sflag:$0x5], $0x800, $0x38;
	[tilespmem:$0x1C180] =	vst v63  }
0x32: {  	s28 =	simm.s32 @!p0 $0x5  }
0x33: {  	_ =	swait.ge @!p0 [sflag:s28], $0x800  }
0x34: {  	[sflag:s28] =	ssyncset.done @!p0 $0x0  }
0x35: {  	[sflag:s28] =	ssyncadd.s32 @!p0 $0xFFFFF800  }
0x36: {  	s28 =	simm.s32 $0x0;
	[bflag:$0x0] =	sbarrier.arrive $0xFFFF  }
0x37: {  	[tilespmem:s28], [sflag:$0x1] =	stream.linear.gather [hbm4b:s6+s28], $0x4000, $0x38;
	[tilespmem:$0x1C180] =	vst v63  }
0x38: {  	_ = 	snop  }
0x39: {  	[tilespmem:s18], [sflag:$0x3] =	stream.linear.gather [hbm4b:s7+s28], $0x80, $0x38;
	[tilespmem:$0x1C180] =	vst v63  }
0x3a: {  	_ = 	snop  }
0x3b: {  	[tilespmem:s19], [sflag:$0x2] =	stream.linear.gather [hbm4b:s8+s28], $0x4000, $0x38;
	[tilespmem:$0x1C180] =	vst v63  }
0x3c: {  	_ = 	snop  }
0x3d: {  	[tilespmem:s20], [sflag:$0x4] =	stream.linear.gather [hbm4b:s9+s28], $0x80, $0x38;
	[tilespmem:$0x1C180] =	vst v63  }
0x3e: {  	_ =	swait.ge [sflag:s21], $0x4000  }
0x3f: {  	[sflag:s21] =	ssyncset.done $0x0  }
0x40: {  	[sflag:s21] =	ssyncadd.s32 $0xFFFFC000  }
0x41: {  	_ =	swait.ge [sflag:s22], $0x80  }
0x42: {  	[sflag:s22] =	ssyncset.done $0x0  }
0x43: {  	[sflag:s22] =	ssyncadd.s32 $0xFFFFFF80  }
0x44: {  	[spmem:s1] =	stream.indirect.scatter.add.f32 [tilespmem:s3], [sflag:$0x5], $0x80, s18, s23, $0xb8;
	[tilespmem:$0x1C180] =	vst v63  }
0x45: {  	_ =	swait.ge [sflag:s17], $0x4000  }
0x46: {  	s28 =	sadd.s32 $0x0, s6;
	[sflag:s17] =	ssyncset.done $0x0  }
0x47: {  	s29 =	sadd.s32 $0x1000, s28;
	[sflag:s17] =	ssyncadd.s32 $0xFFFFC000  }
0x48: {  	[tilespmem:s3], [sflag:$0x1] =	stream.linear.gather [hbm4b:s29+s3], $0x4000, $0x38;
	[tilespmem:$0x1C180] =	vst v63  }
0x49: {  	_ = 	snop  }
0x4a: {  	[tilespmem:s18], [sflag:$0x3] =	stream.linear.gather [hbm4b:s15+s3], $0x80, $0x38;
	[tilespmem:$0x1C180] =	vst v63  }
0x4b: {  	_ =	swait.ge [sflag:s24], $0x4000  }
0x4c: {  	[sflag:s24] =	ssyncset.done $0x0  }
0x4d: {  	[sflag:s24] =	ssyncadd.s32 $0xFFFFC000  }
0x4e: {  	_ =	swait.ge [sflag:s25], $0x80  }
0x4f: {  	[sflag:s25] =	ssyncset.done $0x0  }
0x50: {  	[sflag:s25] =	ssyncadd.s32 $0xFFFFFF80  }
0x51: {  	[spmem:s1] =	stream.indirect.scatter.add.f32 [tilespmem:s19], [sflag:$0x5], $0x80, s20, s23, $0xb8;
	[tilespmem:$0x1C180] =	vst v63  }
0x52: {  	_ =	swait.ge [sflag:s17], $0x4000  }
0x53: {  	[sflag:s17] =	ssyncset.done $0x0  }
0x54: {  	s28 =	sadd.s32 $0x1800, s28;
	[sflag:s17] =	ssyncadd.s32 $0xFFFFC000  }
0x55: {  	[tilespmem:s19], [sflag:$0x2] =	stream.linear.gather [hbm4b:s28+s3], $0x4000, $0x38;
	[tilespmem:$0x1C180] =	vst v63  }
0x56: {  	s30 =	sadd.s32 $0x10, s15;
	s29 =	sadd.s32 $0x20, s15;
	s28 =	simm.s32 $0x1000  }
.LBB2_6:
0x57: {  	[tilespmem:s20], [sflag:$0x4] =	stream.linear.gather [hbm4b:s30+s3], $0x80, $0x38;
	[tilespmem:$0x1C180] =	vst v63  }
0x58: {  	s30 =	smov.u32 s28  }
0x59: {  	p2 =	sne.s32 s28, $0x25000;
	s28 =	sadd.s32 $0x1000, s28;
	_ =	swait.ge [sflag:s21], $0x4000  }
0x5a: {  	[sflag:s21] =	ssyncset.done $0x0  }
0x5b: {  	[sflag:s21] =	ssyncadd.s32 $0xFFFFC000  }
0x5c: {  	_ =	swait.ge [sflag:s22], $0x80  }
0x5d: {  	[sflag:s22] =	ssyncset.done $0x0  }
0x5e: {  	[sflag:s22] =	ssyncadd.s32 $0xFFFFFF80  }
0x5f: {  	[spmem:s1] =	stream.indirect.scatter.add.f32 [tilespmem:s3], [sflag:$0x5], $0x80, s18, s23, $0xb8;
	[tilespmem:$0x1C180] =	vst v63  }
0x60: {  	_ =	swait.ge [sflag:s17], $0x4000  }
0x61: {  	s30 =	sadd.s32 s30, s6;
	[sflag:s17] =	ssyncset.done $0x0  }
0x62: {  	s31 =	sadd.s32 $0x1000, s30;
	[sflag:s17] =	ssyncadd.s32 $0xFFFFC000  }
0x63: {  	[tilespmem:s3], [sflag:$0x1] =	stream.linear.gather [hbm4b:s31+s3], $0x4000, $0x38;
	[tilespmem:$0x1C180] =	vst v63  }
0x64: {  	_ = 	snop  }
0x65: {  	[tilespmem:s18], [sflag:$0x3] =	stream.linear.gather [hbm4b:s29+s3], $0x80, $0x38;
	[tilespmem:$0x1C180] =	vst v63  }
0x66: {  	_ =	swait.ge [sflag:s24], $0x4000  }
0x67: {  	[sflag:s24] =	ssyncset.done $0x0  }
0x68: {  	[sflag:s24] =	ssyncadd.s32 $0xFFFFC000  }
0x69: {  	_ =	swait.ge [sflag:s25], $0x80  }
0x6a: {  	[sflag:s25] =	ssyncset.done $0x0  }
0x6b: {  	[sflag:s25] =	ssyncadd.s32 $0xFFFFFF80  }
0x6c: {  	[spmem:s1] =	stream.indirect.scatter.add.f32 [tilespmem:s19], [sflag:$0x5], $0x80, s20, s23, $0xb8;
	[tilespmem:$0x1C180] =	vst v63  }
.Ltmp2:
0x6d: {  	_ =	swait.ge [sflag:s17], $0x4000;
	(pc) =	sbr.rel @p2 .LBB2_6-.Ltmp2, $4  }
0x6e: {  	[sflag:s17] =	ssyncset.done $0x0  }
0x6f: {  	s30 =	sadd.s32 $0x1800, s30;
	[sflag:s17] =	ssyncadd.s32 $0xFFFFC000  }
0x70: {  	[tilespmem:s19], [sflag:$0x2] =	stream.linear.gather [hbm4b:s30+s3], $0x4000, $0x38;
	[tilespmem:$0x1C180] =	vst v63  }
0x71: {  	s30 =	sadd.s32 $0x10, s29;
	s29 =	sadd.s32 $0x20, s29  }
0x72: {  	[tilespmem:s20], [sflag:$0x4] =	stream.linear.gather [hbm4b:s30+s3], $0x80, $0x38;
	[tilespmem:$0x1C180] =	vst v63  }
0x73: {  	_ =	swait.ge [sflag:s21], $0x4000  }
0x74: {  	[sflag:s21] =	ssyncset.done $0x0  }
0x75: {  	[sflag:s21] =	ssyncadd.s32 $0xFFFFC000  }
0x76: {  	_ =	swait.ge [sflag:s22], $0x80  }
0x77: {  	[sflag:s22] =	ssyncset.done $0x0  }
0x78: {  	[sflag:s22] =	ssyncadd.s32 $0xFFFFFF80  }
0x79: {  	[spmem:s1] =	stream.indirect.scatter.add.f32 [tilespmem:s3], [sflag:$0x5], $0x80, s18, s23, $0xb8;
	[tilespmem:$0x1C180] =	vst v63  }
0x7a: {  	_ =	swait.ge [sflag:s17], $0x4000  }
0x7b: {  	[sflag:s17] =	ssyncset.done $0x0  }
0x7c: {  	s28 =	simm.s32 @p1 $0x2;
	[sflag:s17] =	ssyncadd.s32 $0xFFFFC000  }
0x7d: {  	_ =	swait.ge @p1 [sflag:s28], $0x4000  }
0x7e: {  	[sflag:s28] =	ssyncset.done @p1 $0x0  }
0x7f: {  	[sflag:s28] =	ssyncadd.s32 @p1 $0xFFFFC000;
	s28 =	simm.s32 @p1 $0x4  }
0x80: {  	_ =	swait.ge @p1 [sflag:s28], $0x80  }
0x81: {  	s29 =	simm.s32 @p1 $0x8080;
	[sflag:s28] =	ssyncset.done @p1 $0x0  }
0x82: {  	s30 =	simm.s32 @p1 $0x4000;
	[sflag:s28] =	ssyncadd.s32 @p1 $0xFFFFFF80;
	s28 =	simm.s32 @p1 $0x80  }
0x83: {  	[spmem:s1] =	stream.indirect.scatter.add.f32 @p1 [tilespmem:s30], [sflag:$0x5], $0x80, s29, s28, $0xb8;
	[tilespmem:$0x1C180] =	vst v63  }
0x84: {  	s28 =	simm.s32 @!p1 $0x0  }
0x85: {  	[tilespmem:s28], [sflag:$0x1] =	stream.linear.gather @!p1 [hbm4b:s13+s28], $0x4000, $0x38;
	[tilespmem:$0x1C180] =	vst v63  }
0x86: {  	s29 =	simm.s32 @!p1 $0x8000;
	s30 =	simm.s32 @!p1 $0x2  }
0x87: {  	[tilespmem:s29], [sflag:$0x3] =	stream.linear.gather @!p1 [hbm4b:s14+s28], $0x80, $0x38;
	[tilespmem:$0x1C180] =	vst v63  }
0x88: {  	_ =	swait.ge @!p1 [sflag:s30], $0x4000  }
0x89: {  	[sflag:s30] =	ssyncset.done @!p1 $0x0  }
0x8a: {  	[sflag:s30] =	ssyncadd.s32 @!p1 $0xFFFFC000;
	s30 =	simm.s32 @!p1 $0x4  }
0x8b: {  	_ =	swait.ge @!p1 [sflag:s30], $0x80  }
0x8c: {  	s31 =	simm.s32 @!p1 $0x8080;
	[sflag:s30] =	ssyncset.done @!p1 $0x0  }
0x8d: {  	s0 =	simm.s32 @!p1 $0x4000;
	[sflag:s30] =	ssyncadd.s32 @!p1 $0xFFFFFF80;
	s30 =	simm.s32 @!p1 $0x80  }
0x8e: {  	[spmem:s1] =	stream.indirect.scatter.add.f32 @!p1 [tilespmem:s0], [sflag:$0x5], $0x80, s31, s30, $0xb8;
	[tilespmem:$0x1C180] =	vst v63  }
0x8f: {  	s0 =	simm.s32 @!p1 $0x5  }
0x90: {  	_ =	swait.ge @!p1 [sflag:s0], $0x4000  }
0x91: {  	[sflag:s0] =	ssyncset.done @!p1 $0x0  }
0x92: {  	[sflag:s0] =	ssyncadd.s32 @!p1 $0xFFFFC000;
	s0 =	simm.s32 @!p1 $0x1  }
0x93: {  	_ =	swait.ge @!p1 [sflag:s0], $0x4000  }
0x94: {  	[sflag:s0] =	ssyncset.done @!p1 $0x0  }
0x95: {  	[sflag:s0] =	ssyncadd.s32 @!p1 $0xFFFFC000;
	s0 =	simm.s32 @!p1 $0x3  }
0x96: {  	_ =	swait.ge @!p1 [sflag:s0], $0x80  }
0x97: {  	[sflag:s0] =	ssyncset.done @!p1 $0x0  }
0x98: {  	[sflag:s0] =	ssyncadd.s32 @!p1 $0xFFFFFF80  }
0x99: {  	[spmem:s1] =	stream.indirect.scatter.add.f32 @!p1 [tilespmem:s28], [sflag:$0x5], $0x80, s29, s30, $0xb8;
	[tilespmem:$0x1C180] =	vst v63  }
0x9a: {  	_ =	swait.ge [sflag:s17], $0x4000  }
0x9b: {  	[sflag:s17] =	ssyncset.done $0x0  }
0x9c: {  	s30 =	sshll.u32 s2, $0x6;
	[sflag:s17] =	ssyncadd.s32 $0xFFFFC000  }
0x9d: {  	s31 =	sshrl.u32 s4, $0x3;
	s0 =	sor.u32 $0x1C05, s30;
	[bflag:$0x0] =	sbarrier.arrive $0xFFFF  }
0x9e: {  	[hbm:s10], [sflag:s0] =	dma.local [spmem:s31], $0x2700  }
0x9f: {  	_ =	swait.ge [sflag:s17], $0x2700  }
0xa0: {  	s26 =	sadd.s32 $0x1, s26;
	[sflag:s17] =	ssyncset.done $0x0  }
0xa1: {  	p2 =	sne.s32 s26, s12;
	s28 =	sshrl.u32 @!p0 s5, $0x3;
	[sflag:s17] =	ssyncadd.s32 $0xFFFFD900  }
0xa2: {  	[hbm:s11], [sflag:s0] =	dma.local @!p0 [spmem:s28], $0x100  }
.Ltmp3:
0xa3: {  	_ = 	snop;
	(pc) =	sbr.rel @p2 .LBB2_1-.Ltmp3, $4  }
0xa4: {  	s0 =	simm.s32 @!p0 $0x5  }
0xa5: {  	_ =	swait.ge @!p0 [sflag:s0], $0x100  }
0xa6: {  	[sflag:s0] =	ssyncset.done @!p0 $0x0  }
0xa7: {  	[sflag:s0] =	ssyncadd.s32 @!p0 $0xFFFFFF00  }
0xa8: {  	_ =	sfence.sel $0x180000  }
0xa9: {  	[bflag:$0x0] =	sbarrier.arrive $0xFFFF  }
0xaa: {  	_ =	strace $0x90000047  }
0xab: {  	[bflag:$0x2] =	sbarrier.arrive $0xFFFF  }
0xac: {  	p0 =	sne.s32 s2, $0x0;
	s0 =	rddreg [dreg:$0x4]  }
0xad: {  	s0 =	sadd.s32 @!p0 $0x100000, s0  }
0xae: {  	[sflag:s0] =	ssyncadd.tile.s32 @!p0 $0x1;
	_ =	shalt  }
.Lfunc_end2:
_tile_overlayer_lowered:
.L_overlay_start_2:
0xaf: {  	(tag) =	ssettag $0x2  }
0xb0: {  	s0 =	rddreg [dreg:$0x0];
	s2 =	stileid.u32  }
0xb1: {  	s1 =	rddreg [dreg:$0x1];
	p0 =	sne.s32 s2, $0x0  }
0xb2: {  	s3 =	rddreg [dreg:$0x2];
	[bflag:$0x3] =	sbarrier.arrive $0xFFFF;
	s2 =	simm.s32 @!p0 $0x1C05  }
0xb3: {  	[timem:s3], [sflag:s2] =	dma.local @!p0 [hbm:s0], s1  }
0xb4: {  	s0 =	simm.s32 @!p0 $0x5  }
0xb5: {  	_ =	swait.ge @!p0 [sflag:s0], s1  }
0xb6: {  	s1 =	ssub.s32 @!p0 $0x0, s1;
	[sflag:s0] =	ssyncset.done @!p0 $0x0  }
0xb7: {  	[sflag:s0] =	ssyncadd.s32 @!p0 s1  }
0xb8: {  	[bflag:$0x3] =	sbarrier.arrive $0xFFFF  }
0xb9: {  	_ =	shalt  }

</sc_bundles>
